<compile_context>
chip_gen: v7x
topology: tpu7x:2x2x1
jax: 0.10.2.dev20260603
libtpu: 0.0.44.dev20260713+nightly
codegen_flags: <defaults>
</compile_context>

<pallas_src>
import functools

import jax
import jax.numpy as jnp
from jax import lax
from jax.experimental import pallas as pl
from jax.experimental.pallas import tpu as pltpu
from jax.experimental.pallas import tpu_sc as plsc

_NUM_CORES = 2
_NUM_SUBCORES = 16
_NUM_WORKERS = _NUM_CORES * _NUM_SUBCORES
_LANES = 16

_STREAM_ROWS = 128


def _make_sc_group_sum(l_dim, b_dim, n_sub, dim):
  groups = l_dim * b_dim
  assert groups % _NUM_WORKERS == 0
  g_per_w = groups // _NUM_WORKERS

  g_chunk = 256
  while g_per_w % g_chunk != 0 or b_dim % g_chunk != 0:
    g_chunk //= 2
  r_chunk = g_chunk * n_sub
  n_steps = g_per_w // g_chunk
  n_streams = pl.cdiv(g_chunk, _STREAM_ROWS)

  mesh = plsc.VectorSubcoreMesh(core_axis_name="c", subcore_axis_name="s")

  @functools.partial(
      pl.kernel,
      out_type=jax.ShapeDtypeStruct((l_dim, b_dim, dim), jnp.float32),
      mesh=mesh,
      scratch_types=[
          pltpu.VMEM((n_sub, g_chunk), jnp.int32),
          pltpu.VMEM((r_chunk, dim), jnp.float32),
          pltpu.VMEM((g_chunk, dim), jnp.float32),
          pltpu.SemaphoreType.DMA,
          pltpu.SemaphoreType.DMA,
      ],
      compiler_params=pltpu.CompilerParams(use_tc_tiling_on_sc=False),
  )
  def k(tt_hbm, table_hbm, out_hbm, idx_v, rows_v, sums_v, gsem, osem):
    wid = lax.axis_index("s") * _NUM_CORES + lax.axis_index("c")
    g_base = wid * g_per_w

    def step(c, carry):
      del carry
      g0 = g_base + c * g_chunk
      l = g0 // b_dim
      b0 = g0 % b_dim
      pltpu.sync_copy(tt_hbm.at[l, :, pl.ds(b0, g_chunk)], idx_v)
      copies = []
      for n in range(n_sub):
        for s in range(n_streams):
          copies.append(pltpu.async_copy(
              table_hbm.at[idx_v.at[n, pl.ds(s * _STREAM_ROWS, _STREAM_ROWS)]],
              rows_v.at[pl.ds(n * g_chunk + s * _STREAM_ROWS, _STREAM_ROWS), :],
              gsem))
      for cp in copies:
        cp.wait()

      def pool(g, carry2):
        del carry2
        for h in range(dim // _LANES):
          d = pl.ds(h * _LANES, _LANES)
          acc = rows_v[g, d]
          for n in range(1, n_sub):
            acc = acc + rows_v[n * g_chunk + g, d]
          sums_v[g, d] = acc
        return 0

      lax.fori_loop(0, g_chunk, pool, 0)
      pltpu.async_copy(
          sums_v, out_hbm.at[l, pl.ds(b0, g_chunk), :], osem).wait()
      return 0

    lax.fori_loop(0, n_steps, step, 0)

  return k


def _fixup_body(s_ref, tt_ref, row0_ref, o_ref, *, n_sub, dim):
  ids = tt_ref[...]
  npad = jnp.sum((ids == 0).astype(jnp.float32), axis=1, keepdims=True)
  n = float(n_sub) - npad
  empty = n == 0.0
  denom = jnp.where(empty, 1.0, n)
  eye = jnp.eye(s_ref.shape[1], dtype=jnp.float32)
  st = jnp.einsum("lbd,bc->ldc", s_ref[...], eye,
                  preferred_element_type=jnp.float32)
  row0t = row0_ref[...].reshape(1, dim, 1)
  o_ref[...] = jnp.where(empty, 0.0, (st - npad * row0t) / denom)


def kernel(token_ids, table):
  b, l, n_sub = token_ids.shape
  vocab, dim = table.shape

  tt = jnp.transpose(token_ids, (1, 2, 0))
  sc_sum = _make_sc_group_sum(l, b, n_sub, dim)
  s = sc_sum(tt, table)

  row0 = lax.slice(table, (0, 0), (1, dim))

  l_blk = 8
  while l % l_blk != 0:
    l_blk //= 2
  out_t = pl.pallas_call(
      functools.partial(_fixup_body, n_sub=n_sub, dim=dim),
      grid=(l // l_blk,),
      in_specs=[
          pl.BlockSpec((l_blk, b, dim), lambda i: (i, 0, 0)),
          pl.BlockSpec((l_blk, n_sub, b), lambda i: (i, 0, 0)),
          pl.BlockSpec((1, dim), lambda i: (0, 0)),
      ],
      out_specs=pl.BlockSpec((l_blk, dim, b), lambda i: (i, 0, 0)),
      out_shape=jax.ShapeDtypeStruct((l, dim, b), jnp.float32),
  )(s, tt, row0)

  return jnp.transpose(out_t, (2, 0, 1))

# --- scband reference (transcript-rebuilt; emitter-appended) ---
"""Pipeline reference for scband-subword-embedder-84902913507885 (READ-ONLY COPY).

The authoritative reference and input builder live on the scoring server;
editing this copy changes nothing except your own understanding.
"""

import jax, jax.numpy as jnp
import numpy as np

VOCAB = 1000000
DIM = 32
PAD = 0
B, L, N = 1024, 200, 4


def setup_inputs(seed: int = 0) -> dict:
    key = jax.random.key(seed)
    k1, k2 = jax.random.split(key)
    token_ids = jax.random.randint(k1, (B, L, N), 0, VOCAB, dtype=jnp.int32)
    table = jax.random.normal(k2, (VOCAB, DIM), dtype=jnp.float32) * 0.02
    return {"token_ids": token_ids, "table": table}


def reference(token_ids, table):
    # padding row is forced to zero (module invariant set in __init__)
    table = table.at[PAD].set(0.0)
    # nn.Embedding lookup -> gather
    not_pooled = jnp.take(table, token_ids, axis=0)            # (B, L, N, D)
    num_subwords = (token_ids != PAD).sum(axis=-1)             # (B, L)
    summed = not_pooled.sum(axis=-2)                           # (B, L, D)
    is_empty = (num_subwords == 0)
    denom = jnp.where(is_empty, 1, num_subwords).astype(jnp.float32)
    pooled = jnp.where(is_empty[..., None], 0.0, summed / denom[..., None])
    return pooled

if __name__ == "__main__":
    import jax
    _d = setup_inputs()
    print(jax.jit(kernel)(*tuple(_d.values())))

</pallas_src>

<mosaic_0001>
#map = affine_map<(d0, d1) -> (0, 0, 0)>
#map1 = affine_map<(d0, d1) -> (0, 0)>
module attributes {stable_mosaic.version = 14 : i64} {
  func.func @k(%arg0: i32, %arg1: i32, %arg2: memref<200x4x1024xi32, #tpu.memory_space<hbm>>, %arg3: memref<1000000x32xf32, #tpu.memory_space<hbm>>, %arg4: memref<200x1024x32xf32, #tpu.memory_space<hbm>>, %arg5: memref<4x256xi32, #tpu.memory_space<vmem>>, %arg6: memref<1024x32xf32, #tpu.memory_space<vmem>>, %arg7: memref<256x32xf32, #tpu.memory_space<vmem>>, %arg8: memref<!tpu.dma_semaphore, #tpu.memory_space<semaphore_mem>>, %arg9: memref<!tpu.dma_semaphore, #tpu.memory_space<semaphore_mem>>) attributes {dimension_semantics = [#tpu.dimension_semantics<core_parallel>, #tpu.dimension_semantics<subcore_parallel>], iteration_bounds = array<i64: 2, 16>, scalar_prefetch = 0 : i64, scratch_operands = 5 : i64, tpu.core_type = #tpu.core_type<sc_vector_subcore>, window_params = [{transform_indices = #map}, {transform_indices = #map1}, {transform_indices = #map}]} {
    %mul3A = arith.constant 2 : i32
    %mul3A_0 = arith.muli %arg1, %mul3A : i32
    %add3A = arith.addi %mul3A_0, %arg0 : i32
    %mul3A_1 = arith.constant 6400 : i32
    %mul3A_2 = arith.muli %add3A, %mul3A_1 : i32
    %scan3A = arith.constant 0 : i32
    %scan3A_3 = arith.constant 0 : i32
    %scan3A_4 = arith.constant 25 : i32
    %scan3A_5 = arith.addi %scan3A_3, %scan3A_4 : i32
    %scan3A_6 = arith.constant 1 : i32
    %scan3A_7 = scf.for %scan3A_9 = %scan3A_3 to %scan3A_5 step %scan3A_6 iter_args(%scan3A_10 = %scan3A) -> (i32)  : i32 {
      %mul3A_11 = arith.constant 256 : i32
      %mul3A_12 = arith.muli %scan3A_9, %mul3A_11 : i32
      %add3A_13 = arith.addi %mul3A_2, %mul3A_12 : i32
      %jit3A = arith.constant 1024 : i32
      %div3A = arith.divsi %add3A_13, %jit3A : i32
      %sign3A = arith.constant 0 : i32
      %sign3A_14 = arith.cmpi sgt, %add3A_13, %sign3A : i32
      %sign3A_15 = arith.extui %sign3A_14 : i1 to i32
      %sign3A_16 = arith.constant 0 : i32
      %sign3A_17 = arith.cmpi slt, %add3A_13, %sign3A_16 : i32
      %sign3A_18 = arith.extui %sign3A_17 : i1 to i32
      %sign3A_19 = arith.subi %sign3A_15, %sign3A_18 : i32
      %sign3A_20 = arith.constant 0 : i32
      %sign3A_21 = arith.cmpi sgt, %jit3A, %sign3A_20 : i32
      %sign3A_22 = arith.extui %sign3A_21 : i1 to i32
      %sign3A_23 = arith.constant 0 : i32
      %sign3A_24 = arith.cmpi slt, %jit3A, %sign3A_23 : i32
      %sign3A_25 = arith.extui %sign3A_24 : i1 to i32
      %sign3A_26 = arith.subi %sign3A_22, %sign3A_25 : i32
      %ne3A = arith.cmpi ne, %sign3A_19, %sign3A_26 : i32
      %rem3A = arith.remsi %add3A_13, %jit3A : i32
      %ne3A_27 = arith.constant 0 : i32
      %ne3A_28 = arith.cmpi ne, %rem3A, %ne3A_27 : i32
      %and3A = arith.andi %ne3A, %ne3A_28 : i1
      %sub3A = arith.constant 1 : i32
      %sub3A_29 = arith.subi %div3A, %sub3A : i32
      %select_n3A = arith.select %and3A, %sub3A_29, %div3A : i32
      %jit3A_30 = arith.constant 1024 : i32
      %eq3A = arith.constant 0 : i32
      %eq3A_31 = arith.cmpi eq, %jit3A_30, %eq3A : i32
      %jit3A_32 = arith.constant 1 : i32
      %select_n3A_33 = arith.select %eq3A_31, %jit3A_32, %jit3A_30 : i32
      %rem3A_34 = arith.remsi %add3A_13, %select_n3A_33 : i32
      %ne3A_35 = arith.constant 0 : i32
      %ne3A_36 = arith.cmpi ne, %rem3A_34, %ne3A_35 : i32
      %lt3A = arith.constant 0 : i32
      %lt3A_37 = arith.cmpi slt, %rem3A_34, %lt3A : i32
      %lt3A_38 = arith.constant 0 : i32
      %lt3A_39 = arith.cmpi slt, %select_n3A_33, %lt3A_38 : i32
      %ne3A_40 = arith.xori %lt3A_37, %lt3A_39 : i1
      %and3A_41 = arith.andi %ne3A_40, %ne3A_36 : i1
      %add3A_42 = arith.addi %rem3A_34, %select_n3A_33 : i32
      %select_n3A_43 = arith.select %and3A_41, %add3A_42, %rem3A_34 : i32
      "tpu.region"() ({
        %run_scoped3A = tpu.sem_alloc : memref<!tpu.dma_semaphore, #tpu.memory_space<semaphore_mem>>
        %dma_start3A_222 = arith.constant 0 : i32
        %dma_start3A_223 = tpu.memref_slice %arg2[%select_n3A, %dma_start3A_222, %select_n3A_43] : memref<200x4x1024xi32, #tpu.memory_space<hbm>> -> memref<1x4x256xi32, #tpu.memory_space<hbm>>
        %dma_start3A_224 = tpu.memref_squeeze %dma_start3A_223 : memref<1x4x256xi32, #tpu.memory_space<hbm>> -> memref<4x256xi32, #tpu.memory_space<hbm>>
        %dma_start3A_225 = arith.constant 0 : i32
        %dma_start3A_226 = tpu.memref_slice %arg2[%select_n3A, %dma_start3A_225, %select_n3A_43] : memref<200x4x1024xi32, #tpu.memory_space<hbm>> -> memref<1x4x256xi32, #tpu.memory_space<hbm>>
        %dma_start3A_227 = tpu.memref_squeeze %dma_start3A_226 : memref<1x4x256xi32, #tpu.memory_space<hbm>> -> memref<4x256xi32, #tpu.memory_space<hbm>>
        tpu.enqueue_dma source(%dma_start3A_227 : memref<4x256xi32, #tpu.memory_space<hbm>>) target(%arg5 : memref<4x256xi32, #tpu.memory_space<vmem>>) target_semaphore(%run_scoped3A : memref<!tpu.dma_semaphore, #tpu.memory_space<semaphore_mem>>)
        %dma_wait3A_228 = arith.constant 0 : i32
        %dma_wait3A_229 = tpu.memref_slice %arg2[%select_n3A, %dma_wait3A_228, %select_n3A_43] : memref<200x4x1024xi32, #tpu.memory_space<hbm>> -> memref<1x4x256xi32, #tpu.memory_space<hbm>>
        %dma_wait3A_230 = tpu.memref_squeeze %dma_wait3A_229 : memref<1x4x256xi32, #tpu.memory_space<hbm>> -> memref<4x256xi32, #tpu.memory_space<hbm>>
        %dma_wait3A_231 = arith.constant 0 : i32
        %dma_wait3A_232 = tpu.memref_slice %arg2[%select_n3A, %dma_wait3A_231, %select_n3A_43] : memref<200x4x1024xi32, #tpu.memory_space<hbm>> -> memref<1x4x256xi32, #tpu.memory_space<hbm>>
        %dma_wait3A_233 = tpu.memref_squeeze %dma_wait3A_232 : memref<1x4x256xi32, #tpu.memory_space<hbm>> -> memref<4x256xi32, #tpu.memory_space<hbm>>
        tpu.wait_dma2 semaphore(%run_scoped3A : memref<!tpu.dma_semaphore, #tpu.memory_space<semaphore_mem>>) src(%dma_wait3A_233 : memref<4x256xi32, #tpu.memory_space<hbm>>) dst(%arg5 : memref<4x256xi32, #tpu.memory_space<vmem>>)
        tpu.yield
      }) : () -> ()
      %dma_start3A = arith.constant 0 : i32
      %dma_start3A_44 = arith.constant 0 : i32
      %dma_start3A_45 = arith.constant 0 : i32
      %dma_start3A_46 = tpu.memref_slice %arg6[%dma_start3A_44, %dma_start3A_45] : memref<1024x32xf32, #tpu.memory_space<vmem>> -> memref<128x32xf32, #tpu.memory_space<vmem>>
      %dma_start3A_47 = arith.constant 0 : i32
      %dma_start3A_48 = tpu.memref_slice %arg5[%dma_start3A, %dma_start3A_47] : memref<4x256xi32, #tpu.memory_space<vmem>> -> memref<1x128xi32, #tpu.memory_space<vmem>>
      %dma_start3A_49 = tpu.memref_squeeze %dma_start3A_48 : memref<1x128xi32, #tpu.memory_space<vmem>> -> memref<128xi32, #tpu.memory_space<vmem>>
      %dma_start3A_50 = arith.constant 0 : i32
      %dma_start3A_51 = arith.constant 0 : i32
      %dma_start3A_52 = tpu.memref_slice %arg3[%dma_start3A_50, %dma_start3A_51] : memref<1000000x32xf32, #tpu.memory_space<hbm>> -> memref<1000000x32xf32, #tpu.memory_space<hbm>>
      tpu.enqueue_indirect_dma source(%dma_start3A_52 : memref<1000000x32xf32, #tpu.memory_space<hbm>>) target(%dma_start3A_46 : memref<128x32xf32, #tpu.memory_space<vmem>>) offsets(%dma_start3A_49 : memref<128xi32, #tpu.memory_space<vmem>>) semaphore(%arg8 : memref<!tpu.dma_semaphore, #tpu.memory_space<semaphore_mem>>)
      %dma_start3A_53 = arith.constant 0 : i32
      %dma_start3A_54 = arith.constant 128 : i32
      %dma_start3A_55 = arith.constant 0 : i32
      %dma_start3A_56 = tpu.memref_slice %arg6[%dma_start3A_54, %dma_start3A_55] : memref<1024x32xf32, #tpu.memory_space<vmem>> -> memref<128x32xf32, #tpu.memory_space<vmem>>
      %dma_start3A_57 = arith.constant 128 : i32
      %dma_start3A_58 = tpu.memref_slice %arg5[%dma_start3A_53, %dma_start3A_57] : memref<4x256xi32, #tpu.memory_space<vmem>> -> memref<1x128xi32, #tpu.memory_space<vmem>>
      %dma_start3A_59 = tpu.memref_squeeze %dma_start3A_58 : memref<1x128xi32, #tpu.memory_space<vmem>> -> memref<128xi32, #tpu.memory_space<vmem>>
      %dma_start3A_60 = arith.constant 0 : i32
      %dma_start3A_61 = arith.constant 0 : i32
      %dma_start3A_62 = tpu.memref_slice %arg3[%dma_start3A_60, %dma_start3A_61] : memref<1000000x32xf32, #tpu.memory_space<hbm>> -> memref<1000000x32xf32, #tpu.memory_space<hbm>>
      tpu.enqueue_indirect_dma source(%dma_start3A_62 : memref<1000000x32xf32, #tpu.memory_space<hbm>>) target(%dma_start3A_56 : memref<128x32xf32, #tpu.memory_space<vmem>>) offsets(%dma_start3A_59 : memref<128xi32, #tpu.memory_space<vmem>>) semaphore(%arg8 : memref<!tpu.dma_semaphore, #tpu.memory_space<semaphore_mem>>)
      %dma_start3A_63 = arith.constant 1 : i32
      %dma_start3A_64 = arith.constant 256 : i32
      %dma_start3A_65 = arith.constant 0 : i32
      %dma_start3A_66 = tpu.memref_slice %arg6[%dma_start3A_64, %dma_start3A_65] : memref<1024x32xf32, #tpu.memory_space<vmem>> -> memref<128x32xf32, #tpu.memory_space<vmem>>
      %dma_start3A_67 = arith.constant 0 : i32
      %dma_start3A_68 = tpu.memref_slice %arg5[%dma_start3A_63, %dma_start3A_67] : memref<4x256xi32, #tpu.memory_space<vmem>> -> memref<1x128xi32, #tpu.memory_space<vmem>>
      %dma_start3A_69 = tpu.memref_squeeze %dma_start3A_68 : memref<1x128xi32, #tpu.memory_space<vmem>> -> memref<128xi32, #tpu.memory_space<vmem>>
      %dma_start3A_70 = arith.constant 0 : i32
      %dma_start3A_71 = arith.constant 0 : i32
      %dma_start3A_72 = tpu.memref_slice %arg3[%dma_start3A_70, %dma_start3A_71] : memref<1000000x32xf32, #tpu.memory_space<hbm>> -> memref<1000000x32xf32, #tpu.memory_space<hbm>>
      tpu.enqueue_indirect_dma source(%dma_start3A_72 : memref<1000000x32xf32, #tpu.memory_space<hbm>>) target(%dma_start3A_66 : memref<128x32xf32, #tpu.memory_space<vmem>>) offsets(%dma_start3A_69 : memref<128xi32, #tpu.memory_space<vmem>>) semaphore(%arg8 : memref<!tpu.dma_semaphore, #tpu.memory_space<semaphore_mem>>)
      %dma_start3A_73 = arith.constant 1 : i32
      %dma_start3A_74 = arith.constant 384 : i32
      %dma_start3A_75 = arith.constant 0 : i32
      %dma_start3A_76 = tpu.memref_slice %arg6[%dma_start3A_74, %dma_start3A_75] : memref<1024x32xf32, #tpu.memory_space<vmem>> -> memref<128x32xf32, #tpu.memory_space<vmem>>
      %dma_start3A_77 = arith.constant 128 : i32
      %dma_start3A_78 = tpu.memref_slice %arg5[%dma_start3A_73, %dma_start3A_77] : memref<4x256xi32, #tpu.memory_space<vmem>> -> memref<1x128xi32, #tpu.memory_space<vmem>>
      %dma_start3A_79 = tpu.memref_squeeze %dma_start3A_78 : memref<1x128xi32, #tpu.memory_space<vmem>> -> memref<128xi32, #tpu.memory_space<vmem>>
      %dma_start3A_80 = arith.constant 0 : i32
      %dma_start3A_81 = arith.constant 0 : i32
      %dma_start3A_82 = tpu.memref_slice %arg3[%dma_start3A_80, %dma_start3A_81] : memref<1000000x32xf32, #tpu.memory_space<hbm>> -> memref<1000000x32xf32, #tpu.memory_space<hbm>>
      tpu.enqueue_indirect_dma source(%dma_start3A_82 : memref<1000000x32xf32, #tpu.memory_space<hbm>>) target(%dma_start3A_76 : memref<128x32xf32, #tpu.memory_space<vmem>>) offsets(%dma_start3A_79 : memref<128xi32, #tpu.memory_space<vmem>>) semaphore(%arg8 : memref<!tpu.dma_semaphore, #tpu.memory_space<semaphore_mem>>)
      %dma_start3A_83 = arith.constant 2 : i32
      %dma_start3A_84 = arith.constant 512 : i32
      %dma_start3A_85 = arith.constant 0 : i32
      %dma_start3A_86 = tpu.memref_slice %arg6[%dma_start3A_84, %dma_start3A_85] : memref<1024x32xf32, #tpu.memory_space<vmem>> -> memref<128x32xf32, #tpu.memory_space<vmem>>
      %dma_start3A_87 = arith.constant 0 : i32
      %dma_start3A_88 = tpu.memref_slice %arg5[%dma_start3A_83, %dma_start3A_87] : memref<4x256xi32, #tpu.memory_space<vmem>> -> memref<1x128xi32, #tpu.memory_space<vmem>>
      %dma_start3A_89 = tpu.memref_squeeze %dma_start3A_88 : memref<1x128xi32, #tpu.memory_space<vmem>> -> memref<128xi32, #tpu.memory_space<vmem>>
      %dma_start3A_90 = arith.constant 0 : i32
      %dma_start3A_91 = arith.constant 0 : i32
      %dma_start3A_92 = tpu.memref_slice %arg3[%dma_start3A_90, %dma_start3A_91] : memref<1000000x32xf32, #tpu.memory_space<hbm>> -> memref<1000000x32xf32, #tpu.memory_space<hbm>>
      tpu.enqueue_indirect_dma source(%dma_start3A_92 : memref<1000000x32xf32, #tpu.memory_space<hbm>>) target(%dma_start3A_86 : memref<128x32xf32, #tpu.memory_space<vmem>>) offsets(%dma_start3A_89 : memref<128xi32, #tpu.memory_space<vmem>>) semaphore(%arg8 : memref<!tpu.dma_semaphore, #tpu.memory_space<semaphore_mem>>)
      %dma_start3A_93 = arith.constant 2 : i32
      %dma_start3A_94 = arith.constant 640 : i32
      %dma_start3A_95 = arith.constant 0 : i32
      %dma_start3A_96 = tpu.memref_slice %arg6[%dma_start3A_94, %dma_start3A_95] : memref<1024x32xf32, #tpu.memory_space<vmem>> -> memref<128x32xf32, #tpu.memory_space<vmem>>
      %dma_start3A_97 = arith.constant 128 : i32
      %dma_start3A_98 = tpu.memref_slice %arg5[%dma_start3A_93, %dma_start3A_97] : memref<4x256xi32, #tpu.memory_space<vmem>> -> memref<1x128xi32, #tpu.memory_space<vmem>>
      %dma_start3A_99 = tpu.memref_squeeze %dma_start3A_98 : memref<1x128xi32, #tpu.memory_space<vmem>> -> memref<128xi32, #tpu.memory_space<vmem>>
      %dma_start3A_100 = arith.constant 0 : i32
      %dma_start3A_101 = arith.constant 0 : i32
      %dma_start3A_102 = tpu.memref_slice %arg3[%dma_start3A_100, %dma_start3A_101] : memref<1000000x32xf32, #tpu.memory_space<hbm>> -> memref<1000000x32xf32, #tpu.memory_space<hbm>>
      tpu.enqueue_indirect_dma source(%dma_start3A_102 : memref<1000000x32xf32, #tpu.memory_space<hbm>>) target(%dma_start3A_96 : memref<128x32xf32, #tpu.memory_space<vmem>>) offsets(%dma_start3A_99 : memref<128xi32, #tpu.memory_space<vmem>>) semaphore(%arg8 : memref<!tpu.dma_semaphore, #tpu.memory_space<semaphore_mem>>)
      %dma_start3A_103 = arith.constant 3 : i32
      %dma_start3A_104 = arith.constant 768 : i32
      %dma_start3A_105 = arith.constant 0 : i32
      %dma_start3A_106 = tpu.memref_slice %arg6[%dma_start3A_104, %dma_start3A_105] : memref<1024x32xf32, #tpu.memory_space<vmem>> -> memref<128x32xf32, #tpu.memory_space<vmem>>
      %dma_start3A_107 = arith.constant 0 : i32
      %dma_start3A_108 = tpu.memref_slice %arg5[%dma_start3A_103, %dma_start3A_107] : memref<4x256xi32, #tpu.memory_space<vmem>> -> memref<1x128xi32, #tpu.memory_space<vmem>>
      %dma_start3A_109 = tpu.memref_squeeze %dma_start3A_108 : memref<1x128xi32, #tpu.memory_space<vmem>> -> memref<128xi32, #tpu.memory_space<vmem>>
      %dma_start3A_110 = arith.constant 0 : i32
      %dma_start3A_111 = arith.constant 0 : i32
      %dma_start3A_112 = tpu.memref_slice %arg3[%dma_start3A_110, %dma_start3A_111] : memref<1000000x32xf32, #tpu.memory_space<hbm>> -> memref<1000000x32xf32, #tpu.memory_space<hbm>>
      tpu.enqueue_indirect_dma source(%dma_start3A_112 : memref<1000000x32xf32, #tpu.memory_space<hbm>>) target(%dma_start3A_106 : memref<128x32xf32, #tpu.memory_space<vmem>>) offsets(%dma_start3A_109 : memref<128xi32, #tpu.memory_space<vmem>>) semaphore(%arg8 : memref<!tpu.dma_semaphore, #tpu.memory_space<semaphore_mem>>)
      %dma_start3A_113 = arith.constant 3 : i32
      %dma_start3A_114 = arith.constant 896 : i32
      %dma_start3A_115 = arith.constant 0 : i32
      %dma_start3A_116 = tpu.memref_slice %arg6[%dma_start3A_114, %dma_start3A_115] : memref<1024x32xf32, #tpu.memory_space<vmem>> -> memref<128x32xf32, #tpu.memory_space<vmem>>
      %dma_start3A_117 = arith.constant 128 : i32
      %dma_start3A_118 = tpu.memref_slice %arg5[%dma_start3A_113, %dma_start3A_117] : memref<4x256xi32, #tpu.memory_space<vmem>> -> memref<1x128xi32, #tpu.memory_space<vmem>>
      %dma_start3A_119 = tpu.memref_squeeze %dma_start3A_118 : memref<1x128xi32, #tpu.memory_space<vmem>> -> memref<128xi32, #tpu.memory_space<vmem>>
      %dma_start3A_120 = arith.constant 0 : i32
      %dma_start3A_121 = arith.constant 0 : i32
      %dma_start3A_122 = tpu.memref_slice %arg3[%dma_start3A_120, %dma_start3A_121] : memref<1000000x32xf32, #tpu.memory_space<hbm>> -> memref<1000000x32xf32, #tpu.memory_space<hbm>>
      tpu.enqueue_indirect_dma source(%dma_start3A_122 : memref<1000000x32xf32, #tpu.memory_space<hbm>>) target(%dma_start3A_116 : memref<128x32xf32, #tpu.memory_space<vmem>>) offsets(%dma_start3A_119 : memref<128xi32, #tpu.memory_space<vmem>>) semaphore(%arg8 : memref<!tpu.dma_semaphore, #tpu.memory_space<semaphore_mem>>)
      %dma_wait3A = arith.constant 0 : i32
      %dma_wait3A_123 = arith.constant 0 : i32
      %dma_wait3A_124 = arith.constant 0 : i32
      %dma_wait3A_125 = tpu.memref_slice %arg6[%dma_wait3A_123, %dma_wait3A_124] : memref<1024x32xf32, #tpu.memory_space<vmem>> -> memref<128x32xf32, #tpu.memory_space<vmem>>
      %dma_wait3A_126 = arith.constant 0 : i32
      %dma_wait3A_127 = tpu.memref_slice %arg5[%dma_wait3A, %dma_wait3A_126] : memref<4x256xi32, #tpu.memory_space<vmem>> -> memref<1x128xi32, #tpu.memory_space<vmem>>
      %dma_wait3A_128 = tpu.memref_squeeze %dma_wait3A_127 : memref<1x128xi32, #tpu.memory_space<vmem>> -> memref<128xi32, #tpu.memory_space<vmem>>
      %dma_wait3A_129 = arith.constant 0 : i32
      %dma_wait3A_130 = arith.constant 0 : i32
      %dma_wait3A_131 = tpu.memref_slice %arg3[%dma_wait3A_129, %dma_wait3A_130] : memref<1000000x32xf32, #tpu.memory_space<hbm>> -> memref<1000000x32xf32, #tpu.memory_space<hbm>>
      tpu.wait_indirect_dma semaphore(%arg8 : memref<!tpu.dma_semaphore, #tpu.memory_space<semaphore_mem>>) src(%dma_wait3A_131 : memref<1000000x32xf32, #tpu.memory_space<hbm>>) dst(%dma_wait3A_125 : memref<128x32xf32, #tpu.memory_space<vmem>>)
      %dma_wait3A_132 = arith.constant 0 : i32
      %dma_wait3A_133 = arith.constant 128 : i32
      %dma_wait3A_134 = arith.constant 0 : i32
      %dma_wait3A_135 = tpu.memref_slice %arg6[%dma_wait3A_133, %dma_wait3A_134] : memref<1024x32xf32, #tpu.memory_space<vmem>> -> memref<128x32xf32, #tpu.memory_space<vmem>>
      %dma_wait3A_136 = arith.constant 128 : i32
      %dma_wait3A_137 = tpu.memref_slice %arg5[%dma_wait3A_132, %dma_wait3A_136] : memref<4x256xi32, #tpu.memory_space<vmem>> -> memref<1x128xi32, #tpu.memory_space<vmem>>
      %dma_wait3A_138 = tpu.memref_squeeze %dma_wait3A_137 : memref<1x128xi32, #tpu.memory_space<vmem>> -> memref<128xi32, #tpu.memory_space<vmem>>
      %dma_wait3A_139 = arith.constant 0 : i32
      %dma_wait3A_140 = arith.constant 0 : i32
      %dma_wait3A_141 = tpu.memref_slice %arg3[%dma_wait3A_139, %dma_wait3A_140] : memref<1000000x32xf32, #tpu.memory_space<hbm>> -> memref<1000000x32xf32, #tpu.memory_space<hbm>>
      tpu.wait_indirect_dma semaphore(%arg8 : memref<!tpu.dma_semaphore, #tpu.memory_space<semaphore_mem>>) src(%dma_wait3A_141 : memref<1000000x32xf32, #tpu.memory_space<hbm>>) dst(%dma_wait3A_135 : memref<128x32xf32, #tpu.memory_space<vmem>>)
      %dma_wait3A_142 = arith.constant 1 : i32
      %dma_wait3A_143 = arith.constant 256 : i32
      %dma_wait3A_144 = arith.constant 0 : i32
      %dma_wait3A_145 = tpu.memref_slice %arg6[%dma_wait3A_143, %dma_wait3A_144] : memref<1024x32xf32, #tpu.memory_space<vmem>> -> memref<128x32xf32, #tpu.memory_space<vmem>>
      %dma_wait3A_146 = arith.constant 0 : i32
      %dma_wait3A_147 = tpu.memref_slice %arg5[%dma_wait3A_142, %dma_wait3A_146] : memref<4x256xi32, #tpu.memory_space<vmem>> -> memref<1x128xi32, #tpu.memory_space<vmem>>
      %dma_wait3A_148 = tpu.memref_squeeze %dma_wait3A_147 : memref<1x128xi32, #tpu.memory_space<vmem>> -> memref<128xi32, #tpu.memory_space<vmem>>
      %dma_wait3A_149 = arith.constant 0 : i32
      %dma_wait3A_150 = arith.constant 0 : i32
      %dma_wait3A_151 = tpu.memref_slice %arg3[%dma_wait3A_149, %dma_wait3A_150] : memref<1000000x32xf32, #tpu.memory_space<hbm>> -> memref<1000000x32xf32, #tpu.memory_space<hbm>>
      tpu.wait_indirect_dma semaphore(%arg8 : memref<!tpu.dma_semaphore, #tpu.memory_space<semaphore_mem>>) src(%dma_wait3A_151 : memref<1000000x32xf32, #tpu.memory_space<hbm>>) dst(%dma_wait3A_145 : memref<128x32xf32, #tpu.memory_space<vmem>>)
      %dma_wait3A_152 = arith.constant 1 : i32
      %dma_wait3A_153 = arith.constant 384 : i32
      %dma_wait3A_154 = arith.constant 0 : i32
      %dma_wait3A_155 = tpu.memref_slice %arg6[%dma_wait3A_153, %dma_wait3A_154] : memref<1024x32xf32, #tpu.memory_space<vmem>> -> memref<128x32xf32, #tpu.memory_space<vmem>>
      %dma_wait3A_156 = arith.constant 128 : i32
      %dma_wait3A_157 = tpu.memref_slice %arg5[%dma_wait3A_152, %dma_wait3A_156] : memref<4x256xi32, #tpu.memory_space<vmem>> -> memref<1x128xi32, #tpu.memory_space<vmem>>
      %dma_wait3A_158 = tpu.memref_squeeze %dma_wait3A_157 : memref<1x128xi32, #tpu.memory_space<vmem>> -> memref<128xi32, #tpu.memory_space<vmem>>
      %dma_wait3A_159 = arith.constant 0 : i32
      %dma_wait3A_160 = arith.constant 0 : i32
      %dma_wait3A_161 = tpu.memref_slice %arg3[%dma_wait3A_159, %dma_wait3A_160] : memref<1000000x32xf32, #tpu.memory_space<hbm>> -> memref<1000000x32xf32, #tpu.memory_space<hbm>>
      tpu.wait_indirect_dma semaphore(%arg8 : memref<!tpu.dma_semaphore, #tpu.memory_space<semaphore_mem>>) src(%dma_wait3A_161 : memref<1000000x32xf32, #tpu.memory_space<hbm>>) dst(%dma_wait3A_155 : memref<128x32xf32, #tpu.memory_space<vmem>>)
      %dma_wait3A_162 = arith.constant 2 : i32
      %dma_wait3A_163 = arith.constant 512 : i32
      %dma_wait3A_164 = arith.constant 0 : i32
      %dma_wait3A_165 = tpu.memref_slice %arg6[%dma_wait3A_163, %dma_wait3A_164] : memref<1024x32xf32, #tpu.memory_space<vmem>> -> memref<128x32xf32, #tpu.memory_space<vmem>>
      %dma_wait3A_166 = arith.constant 0 : i32
      %dma_wait3A_167 = tpu.memref_slice %arg5[%dma_wait3A_162, %dma_wait3A_166] : memref<4x256xi32, #tpu.memory_space<vmem>> -> memref<1x128xi32, #tpu.memory_space<vmem>>
      %dma_wait3A_168 = tpu.memref_squeeze %dma_wait3A_167 : memref<1x128xi32, #tpu.memory_space<vmem>> -> memref<128xi32, #tpu.memory_space<vmem>>
      %dma_wait3A_169 = arith.constant 0 : i32
      %dma_wait3A_170 = arith.constant 0 : i32
      %dma_wait3A_171 = tpu.memref_slice %arg3[%dma_wait3A_169, %dma_wait3A_170] : memref<1000000x32xf32, #tpu.memory_space<hbm>> -> memref<1000000x32xf32, #tpu.memory_space<hbm>>
      tpu.wait_indirect_dma semaphore(%arg8 : memref<!tpu.dma_semaphore, #tpu.memory_space<semaphore_mem>>) src(%dma_wait3A_171 : memref<1000000x32xf32, #tpu.memory_space<hbm>>) dst(%dma_wait3A_165 : memref<128x32xf32, #tpu.memory_space<vmem>>)
      %dma_wait3A_172 = arith.constant 2 : i32
      %dma_wait3A_173 = arith.constant 640 : i32
      %dma_wait3A_174 = arith.constant 0 : i32
      %dma_wait3A_175 = tpu.memref_slice %arg6[%dma_wait3A_173, %dma_wait3A_174] : memref<1024x32xf32, #tpu.memory_space<vmem>> -> memref<128x32xf32, #tpu.memory_space<vmem>>
      %dma_wait3A_176 = arith.constant 128 : i32
      %dma_wait3A_177 = tpu.memref_slice %arg5[%dma_wait3A_172, %dma_wait3A_176] : memref<4x256xi32, #tpu.memory_space<vmem>> -> memref<1x128xi32, #tpu.memory_space<vmem>>
      %dma_wait3A_178 = tpu.memref_squeeze %dma_wait3A_177 : memref<1x128xi32, #tpu.memory_space<vmem>> -> memref<128xi32, #tpu.memory_space<vmem>>
      %dma_wait3A_179 = arith.constant 0 : i32
      %dma_wait3A_180 = arith.constant 0 : i32
      %dma_wait3A_181 = tpu.memref_slice %arg3[%dma_wait3A_179, %dma_wait3A_180] : memref<1000000x32xf32, #tpu.memory_space<hbm>> -> memref<1000000x32xf32, #tpu.memory_space<hbm>>
      tpu.wait_indirect_dma semaphore(%arg8 : memref<!tpu.dma_semaphore, #tpu.memory_space<semaphore_mem>>) src(%dma_wait3A_181 : memref<1000000x32xf32, #tpu.memory_space<hbm>>) dst(%dma_wait3A_175 : memref<128x32xf32, #tpu.memory_space<vmem>>)
      %dma_wait3A_182 = arith.constant 3 : i32
      %dma_wait3A_183 = arith.constant 768 : i32
      %dma_wait3A_184 = arith.constant 0 : i32
      %dma_wait3A_185 = tpu.memref_slice %arg6[%dma_wait3A_183, %dma_wait3A_184] : memref<1024x32xf32, #tpu.memory_space<vmem>> -> memref<128x32xf32, #tpu.memory_space<vmem>>
      %dma_wait3A_186 = arith.constant 0 : i32
      %dma_wait3A_187 = tpu.memref_slice %arg5[%dma_wait3A_182, %dma_wait3A_186] : memref<4x256xi32, #tpu.memory_space<vmem>> -> memref<1x128xi32, #tpu.memory_space<vmem>>
      %dma_wait3A_188 = tpu.memref_squeeze %dma_wait3A_187 : memref<1x128xi32, #tpu.memory_space<vmem>> -> memref<128xi32, #tpu.memory_space<vmem>>
      %dma_wait3A_189 = arith.constant 0 : i32
      %dma_wait3A_190 = arith.constant 0 : i32
      %dma_wait3A_191 = tpu.memref_slice %arg3[%dma_wait3A_189, %dma_wait3A_190] : memref<1000000x32xf32, #tpu.memory_space<hbm>> -> memref<1000000x32xf32, #tpu.memory_space<hbm>>
      tpu.wait_indirect_dma semaphore(%arg8 : memref<!tpu.dma_semaphore, #tpu.memory_space<semaphore_mem>>) src(%dma_wait3A_191 : memref<1000000x32xf32, #tpu.memory_space<hbm>>) dst(%dma_wait3A_185 : memref<128x32xf32, #tpu.memory_space<vmem>>)
      %dma_wait3A_192 = arith.constant 3 : i32
      %dma_wait3A_193 = arith.constant 896 : i32
      %dma_wait3A_194 = arith.constant 0 : i32
      %dma_wait3A_195 = tpu.memref_slice %arg6[%dma_wait3A_193, %dma_wait3A_194] : memref<1024x32xf32, #tpu.memory_space<vmem>> -> memref<128x32xf32, #tpu.memory_space<vmem>>
      %dma_wait3A_196 = arith.constant 128 : i32
      %dma_wait3A_197 = tpu.memref_slice %arg5[%dma_wait3A_192, %dma_wait3A_196] : memref<4x256xi32, #tpu.memory_space<vmem>> -> memref<1x128xi32, #tpu.memory_space<vmem>>
      %dma_wait3A_198 = tpu.memref_squeeze %dma_wait3A_197 : memref<1x128xi32, #tpu.memory_space<vmem>> -> memref<128xi32, #tpu.memory_space<vmem>>
      %dma_wait3A_199 = arith.constant 0 : i32
      %dma_wait3A_200 = arith.constant 0 : i32
      %dma_wait3A_201 = tpu.memref_slice %arg3[%dma_wait3A_199, %dma_wait3A_200] : memref<1000000x32xf32, #tpu.memory_space<hbm>> -> memref<1000000x32xf32, #tpu.memory_space<hbm>>
      tpu.wait_indirect_dma semaphore(%arg8 : memref<!tpu.dma_semaphore, #tpu.memory_space<semaphore_mem>>) src(%dma_wait3A_201 : memref<1000000x32xf32, #tpu.memory_space<hbm>>) dst(%dma_wait3A_195 : memref<128x32xf32, #tpu.memory_space<vmem>>)
      %scan3A_202 = arith.constant 0 : i32
      %scan3A_203 = arith.constant 0 : i32
      %scan3A_204 = arith.constant 256 : i32
      %scan3A_205 = arith.addi %scan3A_203, %scan3A_204 : i32
      %scan3A_206 = arith.constant 1 : i32
      %scan3A_207 = scf.for %scan3A_222 = %scan3A_203 to %scan3A_205 step %scan3A_206 iter_args(%scan3A_223 = %scan3A_202) -> (i32)  : i32 {
        %get3A = arith.index_cast %scan3A_222 : i32 to index
        %get3A_224 = arith.constant 0 : index
        %get3A_225 = tpu.vector_load %arg6[%get3A, %get3A_224] {strides = array<i32>} : memref<1024x32xf32, #tpu.memory_space<vmem>>, vector<1x16xf32>,
        %get3A_226 = vector.shape_cast %get3A_225 : vector<1x16xf32> to vector<16xf32>
        %add3A_227 = arith.constant 256 : i32
        %add3A_228 = arith.addi %add3A_227, %scan3A_222 : i32
        %get3A_229 = arith.index_cast %add3A_228 : i32 to index
        %get3A_230 = arith.constant 0 : index
        %get3A_231 = tpu.vector_load %arg6[%get3A_229, %get3A_230] {strides = array<i32>} : memref<1024x32xf32, #tpu.memory_space<vmem>>, vector<1x16xf32>,
        %get3A_232 = vector.shape_cast %get3A_231 : vector<1x16xf32> to vector<16xf32>
        %add3A_233 = arith.addf %get3A_226, %get3A_232 : vector<16xf32>
        %add3A_234 = arith.constant 512 : i32
        %add3A_235 = arith.addi %add3A_234, %scan3A_222 : i32
        %get3A_236 = arith.index_cast %add3A_235 : i32 to index
        %get3A_237 = arith.constant 0 : index
        %get3A_238 = tpu.vector_load %arg6[%get3A_236, %get3A_237] {strides = array<i32>} : memref<1024x32xf32, #tpu.memory_space<vmem>>, vector<1x16xf32>,
        %get3A_239 = vector.shape_cast %get3A_238 : vector<1x16xf32> to vector<16xf32>
        %add3A_240 = arith.addf %add3A_233, %get3A_239 : vector<16xf32>
        %add3A_241 = arith.constant 768 : i32
        %add3A_242 = arith.addi %add3A_241, %scan3A_222 : i32
        %get3A_243 = arith.index_cast %add3A_242 : i32 to index
        %get3A_244 = arith.constant 0 : index
        %get3A_245 = tpu.vector_load %arg6[%get3A_243, %get3A_244] {strides = array<i32>} : memref<1024x32xf32, #tpu.memory_space<vmem>>, vector<1x16xf32>,
        %get3A_246 = vector.shape_cast %get3A_245 : vector<1x16xf32> to vector<16xf32>
        %add3A_247 = arith.addf %add3A_240, %get3A_246 : vector<16xf32>
        %swap3A = arith.index_cast %scan3A_222 : i32 to index
        %swap3A_248 = arith.constant 0 : index
        %swap3A_249 = tpu.vector_load %arg7[%swap3A, %swap3A_248] {strides = array<i32>} : memref<256x32xf32, #tpu.memory_space<vmem>>, vector<1x16xf32>,
        %swap3A_250 = vector.shape_cast %swap3A_249 : vector<1x16xf32> to vector<16xf32>
        %swap3A_251 = vector.shape_cast %add3A_247 : vector<16xf32> to vector<1x16xf32>
        tpu.vector_store %arg7[%swap3A, %swap3A_248], %swap3A_251 {strides = array<i32>} : memref<256x32xf32, #tpu.memory_space<vmem>>, vector<1x16xf32>,
        %get3A_252 = arith.index_cast %scan3A_222 : i32 to index
        %get3A_253 = arith.constant 16 : index
        %get3A_254 = tpu.vector_load %arg6[%get3A_252, %get3A_253] {strides = array<i32>} : memref<1024x32xf32, #tpu.memory_space<vmem>>, vector<1x16xf32>,
        %get3A_255 = vector.shape_cast %get3A_254 : vector<1x16xf32> to vector<16xf32>
        %add3A_256 = arith.constant 256 : i32
        %add3A_257 = arith.addi %add3A_256, %scan3A_222 : i32
        %get3A_258 = arith.index_cast %add3A_257 : i32 to index
        %get3A_259 = arith.constant 16 : index
        %get3A_260 = tpu.vector_load %arg6[%get3A_258, %get3A_259] {strides = array<i32>} : memref<1024x32xf32, #tpu.memory_space<vmem>>, vector<1x16xf32>,
        %get3A_261 = vector.shape_cast %get3A_260 : vector<1x16xf32> to vector<16xf32>
        %add3A_262 = arith.addf %get3A_255, %get3A_261 : vector<16xf32>
        %add3A_263 = arith.constant 512 : i32
        %add3A_264 = arith.addi %add3A_263, %scan3A_222 : i32
        %get3A_265 = arith.index_cast %add3A_264 : i32 to index
        %get3A_266 = arith.constant 16 : index
        %get3A_267 = tpu.vector_load %arg6[%get3A_265, %get3A_266] {strides = array<i32>} : memref<1024x32xf32, #tpu.memory_space<vmem>>, vector<1x16xf32>,
        %get3A_268 = vector.shape_cast %get3A_267 : vector<1x16xf32> to vector<16xf32>
        %add3A_269 = arith.addf %add3A_262, %get3A_268 : vector<16xf32>
        %add3A_270 = arith.constant 768 : i32
        %add3A_271 = arith.addi %add3A_270, %scan3A_222 : i32
        %get3A_272 = arith.index_cast %add3A_271 : i32 to index
        %get3A_273 = arith.constant 16 : index
        %get3A_274 = tpu.vector_load %arg6[%get3A_272, %get3A_273] {strides = array<i32>} : memref<1024x32xf32, #tpu.memory_space<vmem>>, vector<1x16xf32>,
        %get3A_275 = vector.shape_cast %get3A_274 : vector<1x16xf32> to vector<16xf32>
        %add3A_276 = arith.addf %add3A_269, %get3A_275 : vector<16xf32>
        %swap3A_277 = arith.index_cast %scan3A_222 : i32 to index
        %swap3A_278 = arith.constant 16 : index
        %swap3A_279 = tpu.vector_load %arg7[%swap3A_277, %swap3A_278] {strides = array<i32>} : memref<256x32xf32, #tpu.memory_space<vmem>>, vector<1x16xf32>,
        %swap3A_280 = vector.shape_cast %swap3A_279 : vector<1x16xf32> to vector<16xf32>
        %swap3A_281 = vector.shape_cast %add3A_276 : vector<16xf32> to vector<1x16xf32>
        tpu.vector_store %arg7[%swap3A_277, %swap3A_278], %swap3A_281 {strides = array<i32>} : memref<256x32xf32, #tpu.memory_space<vmem>>, vector<1x16xf32>,
        %scan3A_282 = arith.constant 0 : i32
        scf.yield %scan3A_282 : i32
      }
      %scan3A_208 = arith.constant 256 : i32
      %dma_start3A_209 = arith.constant 0 : i32
      %dma_start3A_210 = tpu.memref_slice %arg4[%select_n3A, %select_n3A_43, %dma_start3A_209] : memref<200x1024x32xf32, #tpu.memory_space<hbm>> -> memref<1x256x32xf32, #tpu.memory_space<hbm>>
      %dma_start3A_211 = tpu.memref_squeeze %dma_start3A_210 : memref<1x256x32xf32, #tpu.memory_space<hbm>> -> memref<256x32xf32, #tpu.memory_space<hbm>>
      %dma_start3A_212 = arith.constant 0 : i32
      %dma_start3A_213 = tpu.memref_slice %arg4[%select_n3A, %select_n3A_43, %dma_start3A_212] : memref<200x1024x32xf32, #tpu.memory_space<hbm>> -> memref<1x256x32xf32, #tpu.memory_space<hbm>>
      %dma_start3A_214 = tpu.memref_squeeze %dma_start3A_213 : memref<1x256x32xf32, #tpu.memory_space<hbm>> -> memref<256x32xf32, #tpu.memory_space<hbm>>
      tpu.enqueue_dma source(%arg7 : memref<256x32xf32, #tpu.memory_space<vmem>>) target(%dma_start3A_214 : memref<256x32xf32, #tpu.memory_space<hbm>>) target_semaphore(%arg9 : memref<!tpu.dma_semaphore, #tpu.memory_space<semaphore_mem>>)
      %dma_wait3A_215 = arith.constant 0 : i32
      %dma_wait3A_216 = tpu.memref_slice %arg4[%select_n3A, %select_n3A_43, %dma_wait3A_215] : memref<200x1024x32xf32, #tpu.memory_space<hbm>> -> memref<1x256x32xf32, #tpu.memory_space<hbm>>
      %dma_wait3A_217 = tpu.memref_squeeze %dma_wait3A_216 : memref<1x256x32xf32, #tpu.memory_space<hbm>> -> memref<256x32xf32, #tpu.memory_space<hbm>>
      %dma_wait3A_218 = arith.constant 0 : i32
      %dma_wait3A_219 = tpu.memref_slice %arg4[%select_n3A, %select_n3A_43, %dma_wait3A_218] : memref<200x1024x32xf32, #tpu.memory_space<hbm>> -> memref<1x256x32xf32, #tpu.memory_space<hbm>>
      %dma_wait3A_220 = tpu.memref_squeeze %dma_wait3A_219 : memref<1x256x32xf32, #tpu.memory_space<hbm>> -> memref<256x32xf32, #tpu.memory_space<hbm>>
      tpu.wait_dma2 semaphore(%arg9 : memref<!tpu.dma_semaphore, #tpu.memory_space<semaphore_mem>>) src(%arg7 : memref<256x32xf32, #tpu.memory_space<vmem>>) dst(%dma_wait3A_220 : memref<256x32xf32, #tpu.memory_space<hbm>>)
      %scan3A_221 = arith.constant 0 : i32
      scf.yield %scan3A_221 : i32
    }
    %scan3A_8 = arith.constant 25 : i32
    return
  }
}

module attributes {stable_mosaic.version = 14 : i64} {
  func.func @_fixup_body(%arg0: i32, %arg1: memref<8x1024x32xf32, #tpu.memory_space<vmem>>, %arg2: memref<8x4x1024xi32, #tpu.memory_space<vmem>>, %arg3: memref<1x32xf32, #tpu.memory_space<vmem>>, %arg4: memref<8x32x1024xf32, #tpu.memory_space<vmem>>) attributes {dimension_semantics = [#tpu.dimension_semantics<arbitrary>], iteration_bounds = array<i64: 25>, scalar_prefetch = 0 : i64, scratch_operands = 0 : i64, tpu.core_type = #tpu.core_type<tc>, window_params = [{transform_indices = @transform_0, window_bounds = array<i64: 8, 1024, 32>}, {transform_indices = @transform_1, window_bounds = array<i64: 8, 4, 1024>}, {pipeline_mode = #tpu.pipeline_mode<synchronous>, transform_indices = @transform_2, window_bounds = array<i64: 1, 32>}, {transform_indices = @transform_3, window_bounds = array<i64: 8, 32, 1024>}]} {
    %get3A = arith.constant 0 : index
    %get3A_0 = arith.constant 0 : index
    %get3A_1 = arith.constant 0 : index
    %get3A_2 = vector.load %arg2[%get3A, %get3A_0, %get3A_1] : memref<8x4x1024xi32, #tpu.memory_space<vmem>>, vector<8x4x1024xi32>
    %eq3A = arith.constant 0 : i32
    %eq3A_3 = vector.broadcast %eq3A : i32 to vector<8x4x1024xi32>
    %eq3A_4 = arith.cmpi eq, %get3A_2, %eq3A_3 : vector<8x4x1024xi32>
    %convert_element_type3A = arith.extui %eq3A_4 : vector<8x4x1024xi1> to vector<8x4x1024xi32>
    %convert_element_type3A_5 = arith.sitofp %convert_element_type3A : vector<8x4x1024xi32> to vector<8x4x1024xf32>
    %reduce_sum3A = arith.constant dense<0.000000e+00> : vector<8x1024xf32>
    %reduce_sum3A_6 = vector.multi_reduction <add>, %convert_element_type3A_5, %reduce_sum3A [1] : vector<8x4x1024xf32> to vector<8x1024xf32>
    %broadcast_in_dim3A = vector.shape_cast %reduce_sum3A_6 : vector<8x1024xf32> to vector<8x1x1024xf32>
    %sub3A = arith.constant 4.000000e+00 : f32
    %sub3A_7 = vector.broadcast %sub3A : f32 to vector<8x1x1024xf32>
    %sub3A_8 = arith.subf %sub3A_7, %broadcast_in_dim3A : vector<8x1x1024xf32>
    %eq3A_9 = arith.constant 0.000000e+00 : f32
    %eq3A_10 = vector.broadcast %eq3A_9 : f32 to vector<8x1x1024xf32>
    %eq3A_11 = arith.cmpf oeq, %sub3A_8, %eq3A_10 : vector<8x1x1024xf32>
    %jit3A = arith.constant 1.000000e+00 : f32
    %broadcast_in_dim3A_12 = vector.broadcast %jit3A : f32 to vector<8x1x1024xf32>
    %select_n3A = arith.select %eq3A_11, %broadcast_in_dim3A_12, %sub3A_8 : vector<8x1x1024xi1>, vector<8x1x1024xf32>
    %iota3A = tpu.iota {dimensions = array<i32: 0>} : vector<1024x1024xi32>
    %iota3A_13 = tpu.iota {dimensions = array<i32: 1>} : vector<1024x1024xi32>
    %add3A = arith.constant 0 : i32
    %add3A_14 = vector.broadcast %add3A : i32 to vector<1024x1024xi32>
    %add3A_15 = arith.addi %iota3A, %add3A_14 : vector<1024x1024xi32>
    %eq3A_16 = arith.cmpi eq, %add3A_15, %iota3A_13 : vector<1024x1024xi32>
    %convert_element_type3A_17 = arith.extui %eq3A_16 : vector<1024x1024xi1> to vector<1024x1024xi32>
    %convert_element_type3A_18 = arith.sitofp %convert_element_type3A_17 : vector<1024x1024xi32> to vector<1024x1024xf32>
    %get3A_19 = arith.constant 0 : index
    %get3A_20 = arith.constant 0 : index
    %get3A_21 = arith.constant 0 : index
    %get3A_22 = vector.load %arg1[%get3A_19, %get3A_20, %get3A_21] : memref<8x1024x32xf32, #tpu.memory_space<vmem>>, vector<8x1024x32xf32>
    "tpu.trace_start"() <{level = 10 : i32, message = "lbd,bc->ldc"}> : () -> ()
    %dot_general3A = arith.constant dense<0.000000e+00> : vector<8x32x1024xf32>
    %dot_general3A_23 = tpu.matmul %get3A_22, %convert_element_type3A_18, %dot_general3A {dimension_numbers = #tpu.dot_dimension_numbers<[1], [0], [0, 2], [1], [0, 0, 0, 2, 1, 1], [], []>, transpose_lhs_hint = false} : vector<8x1024x32xf32>, vector<1024x1024xf32>, vector<8x32x1024xf32> -> vector<8x32x1024xf32>
    "tpu.trace_stop"() : () -> ()
    %get3A_24 = arith.constant 0 : index
    %get3A_25 = arith.constant 0 : index
    %get3A_26 = vector.load %arg3[%get3A_24, %get3A_25] : memref<1x32xf32, #tpu.memory_space<vmem>>, vector<1x32xf32>
    %reshape3A = vector.shape_cast %get3A_26 : vector<1x32xf32> to vector<1x32x1xf32>
    %mul3A = vector.broadcast %broadcast_in_dim3A : vector<8x1x1024xf32> to vector<8x32x1024xf32>
    %mul3A_27 = vector.broadcast %reshape3A : vector<1x32x1xf32> to vector<8x32x1024xf32>
    %mul3A_28 = arith.mulf %mul3A, %mul3A_27 : vector<8x32x1024xf32>
    %sub3A_29 = arith.subf %dot_general3A_23, %mul3A_28 : vector<8x32x1024xf32>
    %div3A = vector.broadcast %select_n3A : vector<8x1x1024xf32> to vector<8x32x1024xf32>
    %div3A_30 = arith.divf %sub3A_29, %div3A : vector<8x32x1024xf32>
    %jit3A_31 = arith.constant 0.000000e+00 : f32
    %broadcast_in_dim3A_32 = vector.shape_cast %eq3A_11 : vector<8x1x1024xi1> to vector<8x1x1024xi1>
    %broadcast_in_dim3A_33 = vector.broadcast %broadcast_in_dim3A_32 : vector<8x1x1024xi1> to vector<8x32x1024xi1>
    %broadcast_in_dim3A_34 = vector.broadcast %jit3A_31 : f32 to vector<8x32x1024xf32>
    %select_n3A_35 = arith.select %broadcast_in_dim3A_33, %broadcast_in_dim3A_34, %div3A_30 : vector<8x32x1024xi1>, vector<8x32x1024xf32>
    %swap3A = arith.constant 0 : index
    %swap3A_36 = arith.constant 0 : index
    %swap3A_37 = arith.constant 0 : index
    %swap3A_38 = vector.load %arg4[%swap3A, %swap3A_36, %swap3A_37] : memref<8x32x1024xf32, #tpu.memory_space<vmem>>, vector<8x32x1024xf32>
    tpu.vector_store %arg4[%swap3A, %swap3A_36, %swap3A_37], %select_n3A_35 {strides = array<i32>} : memref<8x32x1024xf32, #tpu.memory_space<vmem>>, vector<8x32x1024xf32>,
    return
  }
  func.func @transform_0(%arg0: i32) -> (i32, i32, i32) {
    %c0_i32 = arith.constant 0 : i32
    %c0_i32_0 = arith.constant 0 : i32
    %c0_i32_1 = arith.constant 0 : i32
    return %arg0, %c0_i32, %c0_i32_0 : i32, i32, i32
  }
  func.func @transform_1(%arg0: i32) -> (i32, i32, i32) {
    %c0_i32 = arith.constant 0 : i32
    %c0_i32_0 = arith.constant 0 : i32
    %c0_i32_1 = arith.constant 0 : i32
    return %arg0, %c0_i32, %c0_i32_0 : i32, i32, i32
  }
  func.func @transform_2(%arg0: i32) -> (i32, i32) {
    %c0_i32 = arith.constant 0 : i32
    %c0_i32_0 = arith.constant 0 : i32
    %c0_i32_1 = arith.constant 0 : i32
    return %c0_i32, %c0_i32_0 : i32, i32
  }
  func.func @transform_3(%arg0: i32) -> (i32, i32, i32) {
    %c0_i32 = arith.constant 0 : i32
    %c0_i32_0 = arith.constant 0 : i32
    %c0_i32_1 = arith.constant 0 : i32
    return %arg0, %c0_i32, %c0_i32_0 : i32, i32, i32
  }
}

</mosaic_0001>

<sc_bundles>
// kernel: kernel.4.cloned.1.call-start
scs
__scs_entry_jumppad:
0x0: {  	(pc) =	sbr.rel $0x88, $3  }
0x1: {  	(tag) =	ssettag $0x0;
	lr =	simm.s32 $0x1  }
0x2: {  	[smem:$0x3F9F] =	sst lr;
	_ =	strace $0xD0000000  }
0x3: {  	_ = 	snop  }
0x4: {  	_ = 	snop  }
0x5: {  	_ = 	snop  }
0x6: {  	_ = 	snop  }
0x7: {  	_ = 	snop  }
__scs_overlays_trampoline_lowered:
0x8: {  	[smem:$0x3FAE] =	sst s0  }
0x9: {  	[smem:$0x3FAF] =	sst s1  }
0xa: {  	[smem:$0x3FB0] =	sst s2  }
0xb: {  	[smem:$0x3FB1] =	sst s3  }
0xc: {  	[smem:$0x3FB2] =	sst s4  }
0xd: {  	[smem:$0x3FB3] =	sst s5  }
0xe: {  	[smem:$0x3FB4] =	sst s6  }
0xf: {  	[smem:$0x3FB5] =	sst s7  }
0x10: {  	[smem:$0x3FB6] =	sst s8  }
0x11: {  	[smem:$0x3FB7] =	sst s9;
	s0 =	simm.s32 @!p0 $0x0  }
0x12: {  	s1 =	sld [smem:$0x3F9D];
	s0 =	simm.s32 @p0 $0x1  }
0x13: {  	[smem:$0x3FB8] =	sst s0;
	s0 =	simm.s32 @!p1 $0x0  }
0x14: {  	s2 =	sld [smem:$0x3F9C];
	s0 =	simm.s32 @p1 $0x1  }
0x15: {  	[smem:$0x3FB9] =	sst s0;
	s0 =	simm.s32 @!p2 $0x0  }
0x16: {  	s3 =	sld [smem:$0x3FDB];
	s0 =	simm.s32 @p2 $0x1  }
0x17: {  	s4 =	simm.s32 $0x1BF5;
	[smem:$0x3FBB] =	sst s0  }
0x18: {  	s0 =	sld [smem:$0x3F9E];
	_ =	swait.ge [sflag:s4], $0x0  }
0x19: {  	s7 =	sld [smem:$0x3F9F]  }
0x1a: {  	s8 =	sadd.s32 $0xFFFFE003, lr  }
0x1b: {  	s9 =	sadd.s32 $0xFFFFFEF7, lr;
	s5 =	simm.s32 $0xFFFFFFFF;
	p2 =	slt.u32 s8, $0xFFFFF086  }
0x1c: {  	p1 =	slt.u32 s9, $0xF7A;
	s5 =	simm.s32 @!p2 $0x0  }
0x1d: {  	s5 =	simm.s32 @p1 $0x1;
	p0 =	seq.s32 s7, s2  }
0x1e: {  	s7 =	smul.u32 @!p0 $0xF7A, s2;
	p2 =	seq.s32 @!p0 s5, $0x0  }
0x1f: {  	s9 =	smul.u32 $0xF7A, s1;
	s8 =	simm.s32 @!p0 $0x1BF5;
	p2 =	por !p2, p0  }
0x20: {  	[sflag:s8] =	ssyncset.s32 @!p0 $0xFFFFF086;
	s6 =	sadd.s32 @!p0 s3, s7;
	s7 =	simm.s32 @!p0 $0x108  }
0x21: {  	s3 =	sadd.s32 s3, s9;
	s6 =	sadd.s32 @!p0 $0x88, s6;
	s7 =	simm.s32 @p2 $0x1082  }
0x22: {  	[simem:s7], [sflag:s8] =	dma.local @!p0 [hbm:s6], $0xF7A  }
0x23: {  	s9 =	sor.u32 $0xD0000000, s2;
	s6 =	simm.s32 $0x108;
	_ =	swait.ge @!p0 [sflag:s8], $0x0  }
0x24: {  	s3 =	sadd.s32 $0x88, s3;
	s6 =	simm.s32 @!p1 $0x1082;
	[sflag:s4] =	ssyncset.s32 $0xFFFFF086  }
0x25: {  	[simem:s6], [sflag:s4] =	dma.local [hbm:s3], $0xF7A  }
0x26: {  	[smem:$0x3F9F] =	sst s1;
	(tag) =	ssettag s2;
	_ =	strace s9  }
0x27: {  	s1 =	sld [smem:$0x3FAF]  }
0x28: {  	s2 =	sld [smem:$0x3FB0]  }
0x29: {  	s4 =	sld [smem:$0x3FB2]  }
0x2a: {  	p0 =	seq.s32 s5, $0x0;
	s5 =	sld [smem:$0x3FB3]  }
0x2b: {  	s6 =	sld [smem:$0x3FB4]  }
0x2c: {  	s7 =	sld [smem:$0x3FB5]  }
0x2d: {  	s3 =	simm.s32 $0x108;
	s8 =	sld [smem:$0x3FB6]  }
0x2e: {  	s3 =	simm.s32 @!p0 $0x1082;
	s9 =	sld [smem:$0x3FB7]  }
0x2f: {  	lr =	sadd.s32 s0, s3;
	s0 =	sld [smem:$0x3FAE]  }
0x30: {  	s3 =	sld [smem:$0x3FB1]  }
0x31: {  	[smem:$0x3FBA] =	sst s10  }
0x32: {  	s10 =	sld [smem:$0x3FB8];
	_ =	sdelay $0x3  }
0x33: {  	p0 =	seq.s32 s10, $0x1;
	s10 =	sld [smem:$0x3FBA];
	_ =	sdelay $0x3  }
0x34: {  	[smem:$0x3FBA] =	sst s10  }
0x35: {  	s10 =	sld [smem:$0x3FB9];
	_ =	sdelay $0x3  }
0x36: {  	p1 =	seq.s32 s10, $0x1;
	s10 =	sld [smem:$0x3FBA];
	_ =	sdelay $0x3  }
0x37: {  	[smem:$0x3FBA] =	sst s10  }
0x38: {  	s10 =	sld [smem:$0x3FBB]  }
0x39: {  	_ = 	snop;
	(pc) =	sbr.ind lr, $3  }
0x3a: {  	_ = 	snop  }
0x3b: {  	_ = 	snop  }
0x3c: {  	p2 =	seq.s32 s10, $0x1;
	s10 =	sld [smem:$0x3FBA]  }
0x3d: {  	_ =	shalt  }
0x3e: {  	_ =	shalt  }
0x3f: {  	_ =	shalt  }
0x40: {  	_ =	shalt  }
0x41: {  	_ =	shalt  }
0x42: {  	_ =	shalt  }
0x43: {  	_ =	shalt  }
0x44: {  	_ =	shalt  }
0x45: {  	_ =	shalt  }
0x46: {  	_ =	shalt  }
0x47: {  	_ =	shalt  }
0x48: {  	_ =	shalt  }
0x49: {  	_ =	shalt  }
0x4a: {  	_ =	shalt  }
0x4b: {  	_ =	shalt  }
0x4c: {  	_ =	shalt  }
0x4d: {  	_ =	shalt  }
0x4e: {  	_ =	shalt  }
0x4f: {  	_ =	shalt  }
0x50: {  	_ =	shalt  }
0x51: {  	_ =	shalt  }
0x52: {  	_ =	shalt  }
0x53: {  	_ =	shalt  }
0x54: {  	_ =	shalt  }
0x55: {  	_ =	shalt  }
0x56: {  	_ =	shalt  }
0x57: {  	_ =	shalt  }
0x58: {  	_ =	shalt  }
0x59: {  	_ =	shalt  }
0x5a: {  	_ =	shalt  }
0x5b: {  	_ =	shalt  }
0x5c: {  	_ =	shalt  }
0x5d: {  	_ =	shalt  }
0x5e: {  	_ =	shalt  }
0x5f: {  	_ =	shalt  }
0x60: {  	_ =	shalt  }
0x61: {  	_ =	shalt  }
0x62: {  	_ =	shalt  }
0x63: {  	_ =	shalt  }
0x64: {  	_ =	shalt  }
0x65: {  	_ =	shalt  }
0x66: {  	_ =	shalt  }
0x67: {  	_ =	shalt  }
0x68: {  	_ =	shalt  }
0x69: {  	_ =	shalt  }
0x6a: {  	_ =	shalt  }
0x6b: {  	_ =	shalt  }
0x6c: {  	_ =	shalt  }
0x6d: {  	_ =	shalt  }
0x6e: {  	_ =	shalt  }
0x6f: {  	_ =	shalt  }
0x70: {  	_ =	shalt  }
0x71: {  	_ =	shalt  }
0x72: {  	_ =	shalt  }
0x73: {  	_ =	shalt  }
0x74: {  	_ =	shalt  }
0x75: {  	_ =	shalt  }
0x76: {  	_ =	shalt  }
0x77: {  	_ =	shalt  }
0x78: {  	_ =	shalt  }
0x79: {  	_ =	shalt  }
0x7a: {  	_ =	shalt  }
0x7b: {  	_ =	shalt  }
0x7c: {  	_ =	shalt  }
0x7d: {  	_ =	shalt  }
0x7e: {  	_ =	shalt  }
0x7f: {  	_ =	shalt  }
0x80: {  	_ =	shalt  }
0x81: {  	_ =	shalt  }
0x82: {  	_ =	shalt  }
0x83: {  	_ =	shalt  }
0x84: {  	_ =	shalt  }
0x85: {  	_ =	shalt  }
0x86: {  	_ =	shalt  }
0x87: {  	_ =	shalt  }
.Lfunc_end0:
.L_simem_size_0:
called_computation_lowered:
.L_overlay_start_0:
0x88: {  	s2 =	sld [smem:$0x3FD9]  }
0x89: {  	s3 =	sld [smem:$0x3FFE];
	_ =	sdelay $0x1  }
0x8a: {  	s1 =	srdreg.scid  }
0x8b: {  	s0 =	sand.u32 $0x1, s1  }
0x8c: {  	s17 =	sshll.u32 s0, $0xA;
	s2 =	sadd.s32 s3, s2  }
0x8d: {  	s2 =	sadd.s32 s2, s17  }
0x8e: {  	[smem:$0x3FC6] =	sst s2  }
0x8f: {  	_ = 	snop  }
0x90: {  	s2 =	sld [smem:$0x3FD0];
	(tm) =	ssettm $0x1  }
0x91: {  	s18 =	sld [smem:$0x3FFB];
	_ =	sdelay $0x3  }
0x92: {  	_ =	strace s18  }
0x93: {  	s3 =	sld [smem:$0x3FFC];
	_ =	sdelay $0x3  }
0x94: {  	_ =	strace s3  }
0x95: {  	s3 =	sld [smem:$0x3FFD];
	_ =	sdelay $0x3  }
0x96: {  	_ =	strace s3  }
0x97: {  	_ =	strace $0x8FFFFFFF  }
0x98: {  	s19 =	sld [smem:$0x3FDB];
	_ =	sdelay $0x1  }
0x99: {  	s4 =	simm.s32 $_scs_section_size  }
0x9a: {  	s5 =	simm.s32 $_size__tile_overlayer_lowered;
	s6 =	simm.s32 $_tile_overlayer_lowered  }
0x9b: {  	s22 =	simm.s32 $0x1BFF;
	s21 =	sshll.u32 s6, $0x1;
	s3 =	sadd.s32 s4, s19  }
0x9c: {  	s7 =	simm.s32 $0x0;
	s20 =	sshll.u32 s5, $0x1;
	s5 =	sadd.s32 s21, s3  }
0x9d: {  	[timem:s7], [sflag:s22] =	dma.local [hbm:s5], s20  }
0x9e: {  	_ =	swait.ge [sflag:s22], s20  }
0x9f: {  	s4 =	ssub.s32 $0x0, s20;
	[sflag:s22] =	ssyncset.done $0x0  }
0xa0: {  	[sflag:s22] =	ssyncadd.s32 s4;
	_ =	sdelay $0x1  }
0xa1: {  	s23 =	simm.s32 $0x1B8B  }
0xa2: {  	_ =	swait.ge [sflag:s23], $0x1  }
0xa3: {  	[sflag:s23] =	ssyncset.done $0x0  }
0xa4: {  	s25 =	simm.s32 $0x1B8E;
	s24 =	sld [smem:$0x3FFE];
	[sflag:s23] =	ssyncadd.s32 $0xFFFFFFFF  }
0xa5: {  	s26 =	simm.s32 $execute0_lowered;
	[smem:$0x3FD2] =	sst s25  }
0xa6: {  	s5 =	sshll.u32 s26, $0x1;
	_ =	strace $0x80000046;
	[dreg:$0x1] =	wrdreg $0xFFFFFFFF  }
0xa7: {  	s28 =	simm.s32 $_size_execute0_lowered;
	s3 =	sadd.s32 s3, s5;
	[dreg:$0x0] =	wrdreg $0x0  }
0xa8: {  	s5 =	sshll.u32 s28, $0x1;
	[dreg:$0x2] =	wrdreg s3  }
0xa9: {  	[dreg:$0x3] =	wrdreg s5  }
0xaa: {  	[dreg:$0x4] =	wrdreg $0xC0  }
0xab: {  	_ =	task [dreg:s7], $0x5FFFF  }
0xac: {  	[dreg:$0x1] =	wrdreg $0xFFFFFFFF  }
0xad: {  	[dreg:$0x0] =	wrdreg $0x60  }
0xae: {  	[dreg:$0x2] =	wrdreg s24  }
0xaf: {  	[dreg:$0x3] =	wrdreg s2  }
0xb0: {  	[dreg:$0x4] =	wrdreg $0x9  }
0xb1: {  	_ =	task.clear_ibuf [dreg:s7], $0x5FFFF;
	_ =	strace $0x90000046  }
0xb2: {  	s29 =	simm.s32 $0x9;
	_ =	strace $0x80000048  }
0xb3: {  	_ =	swait.ge [sflag:s29], $0x1  }
0xb4: {  	[sflag:s29] =	ssyncadd.s32 $0xFFFFFFFF  }
0xb5: {  	_ =	strace $0x90000048  }
0xb6: {  	_ =	sfence  }
0xb7: {  	s30 =	sld [smem:$0x0];
	_ =	sdelay $0x2  }
0xb8: {  	s31 =	sshll.u32 s1, $0xD;
	s1 =	sshrl.u32 s1, $0x2  }
0xb9: {  	s3 =	sand.u32 $0x4000, s31;
	s1 =	sadd.s32 s1, s30  }
0xba: {  	s0 =	sor.u32 s3, s0;
	s1 =	sshll.u32 s1, $0x11  }
0xbb: {  	s0 =	sor.u32 s1, s0  }
0xbc: {  	s0 =	sadd.s32 $0x8F2B, s0  }
0xbd: {  	[sflag:s0] =	ssyncadd.remote.s32 $0x1  }
0xbe: {  	_ =	sfence.sel $0xFFFF  }
0xbf: {  	[dreg:$0x0] =	wrdreg $0xFFFFFFFF;
	(pc) =	sbr.abs _section_cstart, $3  }
0xc0: {  	[dreg:$0x1] =	wrdreg $0xFFFFFFFF  }
0xc1: {  	_ =	task.clear_ibuf [dreg:s7], $0x2FFFF;
	_ =	strace $0x9FFFFFFF  }
0xc2: {  	(tm) =	ssettm $0x7FFFFFFF  }
0xc3: {  	_ =	shalt  }
tec
execute0_lowered:
.L_overlay_start_1:
0x0: {  	(tag) =	ssettag $0x1  }
0x1: {  	s0 =	rddreg [dreg:$0x0]  }
0x2: {  	s1 =	rddreg [dreg:$0x1]  }
0x3: {  	s3 =	simm.s32 $0x0;
	s2 =	srdreg.scid;
	s4 =	stileid.u32  }
0x4: {  	s8 =	simm.s32 $0x100;
	s9 =	simm.s32 $0x400;
	s10 =	simm.s32 $0x3  }
0x5: {  	s11 =	simm.s32 $0x80;
	s12 =	simm.s32 $0x1400;
	s13 =	simm.s32 $0x2400  }
0x6: {  	s14 =	simm.s32 $0x180;
	s15 =	simm.s32 $0x3400;
	s16 =	simm.s32 $0x200  }
0x7: {  	s17 =	simm.s32 $0x4400;
	s18 =	simm.s32 $0x280;
	s19 =	simm.s32 $0x5400  }
0x8: {  	s20 =	simm.s32 $0x300;
	s21 =	simm.s32 $0x6400;
	s22 =	simm.s32 $0x380  }
0x9: {  	s23 =	simm.s32 $0x7400;
	s24 =	simm.s32 $0x1;
	s2 =	sand.u32 $0x1, s2  }
0xa: {  	s25 =	simm.s32 $0x8400;
	s26 =	simm.s32 $0x2;
	s6 =	ssub.s32 $0x2, s2  }
0xb: {  	s28 =	simm.s32 $0x0;
	[smem:$0x7FF] =	sst s3;
	s7 =	sshrl.u32 s6, $0x1  }
0xc: {  	s5 =	sshll.u32 s4, $0x1;
	s4 =	sadd.s32 $0x600, s0;
	s31 =	ssub.s32 s6, s7  }
0xd: {  	s2 =	sor.u32 s2, s5;
	s5 =	sadd.s32 $0xF5BA00, s0;
	s0 =	smax.u32 s31, $0x1  }
0xe: {  	_ =	strace $0x80000047;
	s6 =	smul.u32 $0x1900, s2;
	[dreg:$0x3] =	wrdreg s0  }
.LBB2_1:
0xf: {  	s29 =	simm.s32 $0x0  }
.LBB2_2:
0x10: {  	s0 =	sshll.u32 s29, $0x8  }
0x11: {  	s0 =	sadd.s32 s6, s0  }
0x12: {  	s2 =	sshll.u32 s0, $0x2  }
0x13: {  	s31 =	sand.u32 $0x300, s0;
	s30 =	sand.u32 $0x7FFFF000, s2  }
0x14: {  	s0 =	sor.u32 s31, s30  }
0x15: {  	s0 =	sshrl.u32 s0, $0x3  }
0x16: {  	s7 =	simm.s32 $0x0;
	s0 =	sadd.s32 s4, s0  }
0x17: {  	[tilespmem:s7], [sflag:$0x3] =	stream.strided.gather [hbm4b:s0+s8], $0x400, s9, s8, $0x38;
	[tilespmem:$0xA400] =	vst v63  }
0x18: {  	_ =	swait.ge [sflag:s10], $0x400  }
0x19: {  	[sflag:s10] =	ssyncset.done $0x0  }
0x1a: {  	[sflag:s10] =	ssyncadd.s32 $0xFFFFFC00  }
0x1b: {  	[tilespmem:s9], [sflag:$0x1] =	stream.indirect.gather [hbm4b:s5+s11], $0x20, s7, s11, $0xb8;
	[tilespmem:$0xA400] =	vst v63  }
0x1c: {  	_ = 	snop  }
0x1d: {  	[tilespmem:s12], [sflag:$0x1] =	stream.indirect.gather [hbm4b:s5+s11], $0x20, s11, s11, $0xb8;
	[tilespmem:$0xA400] =	vst v63  }
0x1e: {  	_ = 	snop  }
0x1f: {  	[tilespmem:s13], [sflag:$0x1] =	stream.indirect.gather [hbm4b:s5+s11], $0x20, s8, s11, $0xb8;
	[tilespmem:$0xA400] =	vst v63  }
0x20: {  	_ = 	snop  }
0x21: {  	[tilespmem:s15], [sflag:$0x1] =	stream.indirect.gather [hbm4b:s5+s11], $0x20, s14, s11, $0xb8;
	[tilespmem:$0xA400] =	vst v63  }
0x22: {  	_ = 	snop  }
0x23: {  	[tilespmem:s17], [sflag:$0x1] =	stream.indirect.gather [hbm4b:s5+s11], $0x20, s16, s11, $0xb8;
	[tilespmem:$0xA400] =	vst v63  }
0x24: {  	_ = 	snop  }
0x25: {  	[tilespmem:s19], [sflag:$0x1] =	stream.indirect.gather [hbm4b:s5+s11], $0x20, s18, s11, $0xb8;
	[tilespmem:$0xA400] =	vst v63  }
0x26: {  	_ = 	snop  }
0x27: {  	[tilespmem:s21], [sflag:$0x1] =	stream.indirect.gather [hbm4b:s5+s11], $0x20, s20, s11, $0xb8;
	[tilespmem:$0xA400] =	vst v63  }
0x28: {  	_ = 	snop  }
0x29: {  	[tilespmem:s23], [sflag:$0x1] =	stream.indirect.gather [hbm4b:s5+s11], $0x20, s22, s11, $0xb8;
	[tilespmem:$0xA400] =	vst v63  }
0x2a: {  	_ =	swait.ge [sflag:s24], $0x1000  }
0x2b: {  	[sflag:s24] =	ssyncset.done $0x0  }
0x2c: {  	[sflag:s24] =	ssyncadd.s32 $0xFFFFF000  }
0x2d: {  	_ =	swait.ge [sflag:s24], $0x1000  }
0x2e: {  	[sflag:s24] =	ssyncset.done $0x0  }
0x2f: {  	[sflag:s24] =	ssyncadd.s32 $0xFFFFF000  }
0x30: {  	_ =	swait.ge [sflag:s24], $0x1000  }
0x31: {  	[sflag:s24] =	ssyncset.done $0x0  }
0x32: {  	[sflag:s24] =	ssyncadd.s32 $0xFFFFF000  }
0x33: {  	_ =	swait.ge [sflag:s24], $0x1000  }
0x34: {  	[sflag:s24] =	ssyncset.done $0x0  }
0x35: {  	[sflag:s24] =	ssyncadd.s32 $0xFFFFF000  }
0x36: {  	_ =	swait.ge [sflag:s24], $0x1000  }
0x37: {  	[sflag:s24] =	ssyncset.done $0x0  }
0x38: {  	[sflag:s24] =	ssyncadd.s32 $0xFFFFF000  }
0x39: {  	_ =	swait.ge [sflag:s24], $0x1000  }
0x3a: {  	[sflag:s24] =	ssyncset.done $0x0  }
0x3b: {  	[sflag:s24] =	ssyncadd.s32 $0xFFFFF000  }
0x3c: {  	_ =	swait.ge [sflag:s24], $0x1000  }
0x3d: {  	[sflag:s24] =	ssyncset.done $0x0  }
0x3e: {  	[sflag:s24] =	ssyncadd.s32 $0xFFFFF000  }
0x3f: {  	_ =	swait.ge [sflag:s24], $0x1000  }
0x40: {  	[sflag:s24] =	ssyncset.done $0x0  }
0x41: {  	s0 =	simm.s32 $0x0;
	[sflag:s24] =	ssyncadd.s32 $0xFFFFF000  }
0x42: {  	v1 =	vld [tilespmem:s0+$0x410]  }
0x43: {  	v4 =	vld [tilespmem:s0+$0x2410]  }
0x44: {  	v0 =	vld [tilespmem:s0+$0x400]  }
0x45: {  	v6 =	vld [tilespmem:s0+$0x4410]  }
0x46: {  	v3 =	vld [tilespmem:s0+$0x2400]  }
0x47: {  	v5 =	vld [tilespmem:s0+$0x6410]  }
0x48: {  	v2 =	vld [tilespmem:s0+$0x4400];
	v7 =	vadd.f32 v4, v1  }
0x49: {  	s2 =	simm.s32 $0x20;
	v1 =	vld [tilespmem:s0+$0x6400]  }
0x4a: {  	s7 =	simm.s32 $0x100;
	v4 =	vld [tilespmem:s2+$0x410];
	v6 =	vadd.f32 v6, v7  }
.LBB2_3:
0x4b: {  	p0 =	sne.s32 s7, $0x7F80;
	v7 =	vld [tilespmem:s2+$0x2410];
	v3 =	vadd.f32 v3, v0  }
0x4c: {  	v0 =	vld [tilespmem:s2+$0x400];
	v5 =	vadd.f32 v5, v6  }
0x4d: {  	v6 =	vld [tilespmem:s2+$0x4410];
	v2 =	vadd.f32 v2, v3  }
.Ltmp0:
0x4e: {  	v3 =	vld [tilespmem:s2+$0x2400];
	[tilespmem:s0+$0x8410] =	vst v5;
	(pc) =	sbr.rel @p0 .LBB2_3-.Ltmp0, $4  }
0x4f: {  	v5 =	vld [tilespmem:s2+$0x6410];
	v8 =	vadd.f32 v1, v2  }
0x50: {  	v2 =	vld [tilespmem:s2+$0x4400];
	v7 =	vadd.f32 v7, v4  }
0x51: {  	v1 =	vld [tilespmem:s2+$0x6400];
	[tilespmem:s0+$0x8400] =	vst v8;
	s0 =	smov.u32 s2;
	s2 =	sshra.s32 s7, $0x2  }
0x52: {  	s7 =	sadd.s32 $0x80, s7;
	v4 =	vld [tilespmem:s2+$0x410];
	v6 =	vadd.f32 v6, v7  }
0x53: {  	v7 =	vld [tilespmem:s2+$0x2410]  }
0x54: {  	v8 =	vld [tilespmem:s2+$0x400];
	v5 =	vadd.f32 v5, v6  }
0x55: {  	v9 =	vld [tilespmem:s2+$0x2400]  }
0x56: {  	v57 =	vld [tilespmem:s2+$0x4410];
	[tilespmem:s0+$0x8410] =	vst v5  }
0x57: {  	v5 =	vld [tilespmem:s2+$0x4400]  }
0x58: {  	v0 =	vadd.f32 v3, v0;
	v58 =	vld [tilespmem:s2+$0x6410]  }
0x59: {  	v59 =	vld [tilespmem:s2+$0x6400];
	v4 =	vadd.f32 v7, v4  }
0x5a: {  	v0 =	vadd.f32 v2, v0;
	v60 =	vadd.f32 v9, v8  }
0x5b: {  	v4 =	vadd.f32 v57, v4  }
0x5c: {  	v0 =	vadd.f32 v1, v0;
	v61 =	vadd.f32 v5, v60  }
0x5d: {  	v62 =	vadd.f32 v58, v4  }
0x5e: {  	s31 =	sshll.u32 s31, $0x2;
	s29 =	sadd.s32 $0x1, s29;
	[tilespmem:s0+$0x8400] =	vst v0;
	v63 =	vadd.f32 v59, v61  }
0x5f: {  	p0 =	sne.s32 s29, $0x19;
	s0 =	sadd.s32 s1, s31;
	[tilespmem:s2+$0x8410] =	vst v62  }
.Ltmp1:
0x60: {  	s0 =	sadd.s32 s30, s0;
	[tilespmem:s2+$0x8400] =	vst v63;
	(pc) =	sbr.rel @p0 .LBB2_2-.Ltmp1, $4  }
0x61: {  	[hbm4b:s0+s3] =	stream.linear.scatter [tilespmem:s25], [sflag:$0x2], $0x2000, $0x38;
	[tilespmem:$0xA400] =	vst v63  }
0x62: {  	_ =	swait.ge [sflag:s26], $0x2000  }
0x63: {  	[sflag:s26] =	ssyncset.done $0x0  }
0x64: {  	[sflag:s26] =	ssyncadd.s32 $0xFFFFE000  }
0x65: {  	s28 =	sadd.s32 $0x1, s28;
	s0 =	rddreg [dreg:$0x3]  }
0x66: {  	p0 =	sne.s32 s28, s0  }
.Ltmp2:
0x67: {  	_ = 	snop;
	(pc) =	sbr.rel @p0 .LBB2_1-.Ltmp2, $1  }
0x68: {  	_ =	sdelay $0x3  }
0x69: {  	_ =	sfence.sel $0x180000  }
0x6a: {  	[bflag:$0x0] =	sbarrier.arrive $0xFFFF  }
0x6b: {  	_ =	strace $0x90000047  }
0x6c: {  	s0 =	stileid.u32;
	[bflag:$0x2] =	sbarrier.arrive $0xFFFF  }
0x6d: {  	p0 =	sne.s32 s0, $0x0;
	s0 =	rddreg [dreg:$0x2]  }
0x6e: {  	s0 =	sadd.s32 @!p0 $0x100000, s0  }
0x6f: {  	[sflag:s0] =	ssyncadd.tile.s32 @!p0 $0x1;
	_ =	shalt  }
.Lfunc_end2:
_tile_overlayer_lowered:
.L_overlay_start_2:
0x70: {  	(tag) =	ssettag $0x2  }
0x71: {  	s0 =	rddreg [dreg:$0x0];
	s2 =	stileid.u32  }
0x72: {  	s1 =	rddreg [dreg:$0x1];
	p0 =	sne.s32 s2, $0x0  }
0x73: {  	s3 =	rddreg [dreg:$0x2];
	[bflag:$0x3] =	sbarrier.arrive $0xFFFF;
	s2 =	simm.s32 @!p0 $0x1C03  }
0x74: {  	[timem:s3], [sflag:s2] =	dma.local @!p0 [hbm:s0], s1  }
0x75: {  	s0 =	simm.s32 @!p0 $0x3  }
0x76: {  	_ =	swait.ge @!p0 [sflag:s0], s1  }
0x77: {  	s1 =	ssub.s32 @!p0 $0x0, s1;
	[sflag:s0] =	ssyncset.done @!p0 $0x0  }
0x78: {  	[sflag:s0] =	ssyncadd.s32 @!p0 s1  }
0x79: {  	[bflag:$0x3] =	sbarrier.arrive $0xFFFF  }
0x7a: {  	_ =	shalt  }

</sc_bundles>
